<compile_context>
chip_gen: v7x
topology: tpu7x:2x2x1
jax: 0.10.2.dev20260603
libtpu: 0.0.44.dev20260713+nightly
codegen_flags: <defaults>
</compile_context>

<pallas_src>
import jax
import jax.numpy as jnp
from jax import lax
from jax.experimental import pallas as pl
from jax.experimental.pallas import tpu as pltpu
from jax.experimental.pallas import tpu_sc as plsc

NUM_BUCKETS = 1000000
PADDED_BUCKETS = 1000448
BATCH = 16384
LANES = 128
NC = 2
NS = 16
NW = NC * NS
ROWS = BATCH // LANES
RPW = ROWS // NW


def _gather_body(idx_hbm, tab_hbm, out_hbm, idx_v, rows_v, idx_sem, sem):
    wid = lax.axis_index("s") * NC + lax.axis_index("c")
    base = wid * RPW
    idx_cps = [
        pltpu.async_copy(idx_hbm.at[base + j], idx_v.at[j], idx_sem)
        for j in range(RPW)
    ]
    copies = []
    for j in range(RPW):
        idx_cps[j].wait()
        copies.append(
            pltpu.async_copy(tab_hbm.at[idx_v.at[j]], rows_v.at[j], sem)
        )
    out_cps = []
    for j in range(RPW):
        copies[j].wait()
        out_cps.append(
            pltpu.async_copy(rows_v.at[j], out_hbm.at[base + j], idx_sem)
        )
    for cp in out_cps:
        cp.wait()


def kernel(inputs, kernel):
    idx = inputs.reshape(ROWS, LANES)
    tab = jnp.pad(kernel, ((0, PADDED_BUCKETS - NUM_BUCKETS), (0, 0)))
    tab = tab.reshape(PADDED_BUCKETS)
    mesh = plsc.VectorSubcoreMesh(core_axis_name="c", subcore_axis_name="s")
    out = pl.kernel(
        _gather_body,
        mesh=mesh,
        out_type=jax.ShapeDtypeStruct((ROWS, LANES), jnp.float32),
        compiler_params=pltpu.CompilerParams(
            disable_bounds_checks=True,
            disable_semaphore_checks=True,
            skip_device_barrier=True,
        ),
        scratch_types=[
            pltpu.VMEM((RPW, LANES), jnp.int32),
            pltpu.VMEM((RPW, LANES), jnp.float32),
            pltpu.SemaphoreType.DMA,
            pltpu.SemaphoreType.DMA,
        ],
    )(idx, tab)
    return out.reshape(BATCH, 1, 1)

# --- scband reference (transcript-rebuilt; emitter-appended) ---
"""Pipeline reference for scband-categorical-calibration-65515431133624 (READ-ONLY COPY).

The authoritative reference and input builder live on the scoring server;
editing this copy changes nothing except your own understanding.
"""

import jax, jax.numpy as jnp
import numpy as np

NUM_BUCKETS = 1000000
UNITS = 1
BATCH = 16384
OUTPUT_MIN = 0.0
OUTPUT_MAX = 1.0


def setup_inputs(seed: int = 0) -> dict:
    key = jax.random.key(seed)
    k_idx, k_kernel = jax.random.split(key)
    # forward input: categorical bucket indices, shape (batch, 1)
    inputs = jax.random.randint(k_idx, (BATCH, 1), 0, NUM_BUCKETS, dtype=jnp.int32)
    # learned parameter: calibration kernel of shape (num_buckets, units),
    # 'uniform' initializer with output_min/output_max provided samples U[output_min, output_max]
    kernel = jax.random.uniform(
        k_kernel, (NUM_BUCKETS, UNITS), minval=OUTPUT_MIN, maxval=OUTPUT_MAX,
        dtype=jnp.float32)
    return {"inputs": inputs, "kernel": kernel}


def reference(inputs, kernel):
    # CategoricalCalibration.call with units == 1 and default_input_value=None:
    #   inputs cast to int32 (already int32 here)
    #   outputs = tf.gather(self.kernel, inputs)
    # tf.gather(kernel[num_buckets, units=1], inputs[batch, 1]) -> (batch, 1, 1)
    inputs = inputs.astype(jnp.int32)
    outputs = jnp.take(kernel, inputs, axis=0)
    return outputs

if __name__ == "__main__":
    import jax
    _d = setup_inputs()
    print(jax.jit(kernel)(*tuple(_d.values())))

</pallas_src>

<mosaic_0001>
#map = affine_map<(d0, d1) -> (0, 0)>
#map1 = affine_map<(d0, d1) -> (0)>
module attributes {stable_mosaic.version = 14 : i64} {
  func.func @_gather_body(%arg0: i32, %arg1: i32, %arg2: memref<128x128xi32, #tpu.memory_space<hbm>>, %arg3: memref<1000448xf32, #tpu.memory_space<hbm>>, %arg4: memref<128x128xf32, #tpu.memory_space<hbm>>, %arg5: memref<4x128xi32, #tpu.memory_space<vmem>>, %arg6: memref<4x128xf32, #tpu.memory_space<vmem>>, %arg7: memref<!tpu.dma_semaphore, #tpu.memory_space<semaphore_mem>>, %arg8: memref<!tpu.dma_semaphore, #tpu.memory_space<semaphore_mem>>) attributes {dimension_semantics = [#tpu.dimension_semantics<core_parallel>, #tpu.dimension_semantics<subcore_parallel>], iteration_bounds = array<i64: 2, 16>, scalar_prefetch = 0 : i64, scratch_operands = 4 : i64, tpu.core_type = #tpu.core_type<sc_vector_subcore>, window_params = [{transform_indices = #map}, {transform_indices = #map1}, {transform_indices = #map}]} {
    %mul3A = arith.constant 2 : i32
    %mul3A_0 = arith.muli %arg1, %mul3A : i32
    %add3A = arith.addi %mul3A_0, %arg0 : i32
    %mul3A_1 = arith.constant 4 : i32
    %mul3A_2 = arith.muli %add3A, %mul3A_1 : i32
    %add3A_3 = arith.constant 0 : i32
    %add3A_4 = arith.addi %mul3A_2, %add3A_3 : i32
    %dma_start3A = arith.constant 0 : i32
    %dma_start3A_5 = arith.constant 0 : i32
    %dma_start3A_6 = tpu.memref_slice %arg5[%dma_start3A, %dma_start3A_5] : memref<4x128xi32, #tpu.memory_space<vmem>> -> memref<1x128xi32, #tpu.memory_space<vmem>>
    %dma_start3A_7 = tpu.memref_squeeze %dma_start3A_6 : memref<1x128xi32, #tpu.memory_space<vmem>> -> memref<128xi32, #tpu.memory_space<vmem>>
    %dma_start3A_8 = arith.constant 0 : i32
    %dma_start3A_9 = tpu.memref_slice %arg2[%add3A_4, %dma_start3A_8] : memref<128x128xi32, #tpu.memory_space<hbm>> -> memref<1x128xi32, #tpu.memory_space<hbm>>
    %dma_start3A_10 = tpu.memref_squeeze %dma_start3A_9 : memref<1x128xi32, #tpu.memory_space<hbm>> -> memref<128xi32, #tpu.memory_space<hbm>>
    %dma_start3A_11 = arith.constant 0 : i32
    %dma_start3A_12 = tpu.memref_slice %arg5[%dma_start3A, %dma_start3A_11] : memref<4x128xi32, #tpu.memory_space<vmem>> -> memref<1x128xi32, #tpu.memory_space<vmem>>
    %dma_start3A_13 = tpu.memref_squeeze %dma_start3A_12 : memref<1x128xi32, #tpu.memory_space<vmem>> -> memref<128xi32, #tpu.memory_space<vmem>>
    %dma_start3A_14 = arith.constant 0 : i32
    %dma_start3A_15 = tpu.memref_slice %arg2[%add3A_4, %dma_start3A_14] : memref<128x128xi32, #tpu.memory_space<hbm>> -> memref<1x128xi32, #tpu.memory_space<hbm>>
    %dma_start3A_16 = tpu.memref_squeeze %dma_start3A_15 : memref<1x128xi32, #tpu.memory_space<hbm>> -> memref<128xi32, #tpu.memory_space<hbm>>
    tpu.enqueue_dma source(%dma_start3A_16 : memref<128xi32, #tpu.memory_space<hbm>>) target(%dma_start3A_13 : memref<128xi32, #tpu.memory_space<vmem>>) target_semaphore(%arg7 : memref<!tpu.dma_semaphore, #tpu.memory_space<semaphore_mem>>)
    %add3A_17 = arith.constant 1 : i32
    %add3A_18 = arith.addi %mul3A_2, %add3A_17 : i32
    %dma_start3A_19 = arith.constant 1 : i32
    %dma_start3A_20 = arith.constant 0 : i32
    %dma_start3A_21 = tpu.memref_slice %arg5[%dma_start3A_19, %dma_start3A_20] : memref<4x128xi32, #tpu.memory_space<vmem>> -> memref<1x128xi32, #tpu.memory_space<vmem>>
    %dma_start3A_22 = tpu.memref_squeeze %dma_start3A_21 : memref<1x128xi32, #tpu.memory_space<vmem>> -> memref<128xi32, #tpu.memory_space<vmem>>
    %dma_start3A_23 = arith.constant 0 : i32
    %dma_start3A_24 = tpu.memref_slice %arg2[%add3A_18, %dma_start3A_23] : memref<128x128xi32, #tpu.memory_space<hbm>> -> memref<1x128xi32, #tpu.memory_space<hbm>>
    %dma_start3A_25 = tpu.memref_squeeze %dma_start3A_24 : memref<1x128xi32, #tpu.memory_space<hbm>> -> memref<128xi32, #tpu.memory_space<hbm>>
    %dma_start3A_26 = arith.constant 0 : i32
    %dma_start3A_27 = tpu.memref_slice %arg5[%dma_start3A_19, %dma_start3A_26] : memref<4x128xi32, #tpu.memory_space<vmem>> -> memref<1x128xi32, #tpu.memory_space<vmem>>
    %dma_start3A_28 = tpu.memref_squeeze %dma_start3A_27 : memref<1x128xi32, #tpu.memory_space<vmem>> -> memref<128xi32, #tpu.memory_space<vmem>>
    %dma_start3A_29 = arith.constant 0 : i32
    %dma_start3A_30 = tpu.memref_slice %arg2[%add3A_18, %dma_start3A_29] : memref<128x128xi32, #tpu.memory_space<hbm>> -> memref<1x128xi32, #tpu.memory_space<hbm>>
    %dma_start3A_31 = tpu.memref_squeeze %dma_start3A_30 : memref<1x128xi32, #tpu.memory_space<hbm>> -> memref<128xi32, #tpu.memory_space<hbm>>
    tpu.enqueue_dma source(%dma_start3A_31 : memref<128xi32, #tpu.memory_space<hbm>>) target(%dma_start3A_28 : memref<128xi32, #tpu.memory_space<vmem>>) target_semaphore(%arg7 : memref<!tpu.dma_semaphore, #tpu.memory_space<semaphore_mem>>)
    %add3A_32 = arith.constant 2 : i32
    %add3A_33 = arith.addi %mul3A_2, %add3A_32 : i32
    %dma_start3A_34 = arith.constant 2 : i32
    %dma_start3A_35 = arith.constant 0 : i32
    %dma_start3A_36 = tpu.memref_slice %arg5[%dma_start3A_34, %dma_start3A_35] : memref<4x128xi32, #tpu.memory_space<vmem>> -> memref<1x128xi32, #tpu.memory_space<vmem>>
    %dma_start3A_37 = tpu.memref_squeeze %dma_start3A_36 : memref<1x128xi32, #tpu.memory_space<vmem>> -> memref<128xi32, #tpu.memory_space<vmem>>
    %dma_start3A_38 = arith.constant 0 : i32
    %dma_start3A_39 = tpu.memref_slice %arg2[%add3A_33, %dma_start3A_38] : memref<128x128xi32, #tpu.memory_space<hbm>> -> memref<1x128xi32, #tpu.memory_space<hbm>>
    %dma_start3A_40 = tpu.memref_squeeze %dma_start3A_39 : memref<1x128xi32, #tpu.memory_space<hbm>> -> memref<128xi32, #tpu.memory_space<hbm>>
    %dma_start3A_41 = arith.constant 0 : i32
    %dma_start3A_42 = tpu.memref_slice %arg5[%dma_start3A_34, %dma_start3A_41] : memref<4x128xi32, #tpu.memory_space<vmem>> -> memref<1x128xi32, #tpu.memory_space<vmem>>
    %dma_start3A_43 = tpu.memref_squeeze %dma_start3A_42 : memref<1x128xi32, #tpu.memory_space<vmem>> -> memref<128xi32, #tpu.memory_space<vmem>>
    %dma_start3A_44 = arith.constant 0 : i32
    %dma_start3A_45 = tpu.memref_slice %arg2[%add3A_33, %dma_start3A_44] : memref<128x128xi32, #tpu.memory_space<hbm>> -> memref<1x128xi32, #tpu.memory_space<hbm>>
    %dma_start3A_46 = tpu.memref_squeeze %dma_start3A_45 : memref<1x128xi32, #tpu.memory_space<hbm>> -> memref<128xi32, #tpu.memory_space<hbm>>
    tpu.enqueue_dma source(%dma_start3A_46 : memref<128xi32, #tpu.memory_space<hbm>>) target(%dma_start3A_43 : memref<128xi32, #tpu.memory_space<vmem>>) target_semaphore(%arg7 : memref<!tpu.dma_semaphore, #tpu.memory_space<semaphore_mem>>)
    %add3A_47 = arith.constant 3 : i32
    %add3A_48 = arith.addi %mul3A_2, %add3A_47 : i32
    %dma_start3A_49 = arith.constant 3 : i32
    %dma_start3A_50 = arith.constant 0 : i32
    %dma_start3A_51 = tpu.memref_slice %arg5[%dma_start3A_49, %dma_start3A_50] : memref<4x128xi32, #tpu.memory_space<vmem>> -> memref<1x128xi32, #tpu.memory_space<vmem>>
    %dma_start3A_52 = tpu.memref_squeeze %dma_start3A_51 : memref<1x128xi32, #tpu.memory_space<vmem>> -> memref<128xi32, #tpu.memory_space<vmem>>
    %dma_start3A_53 = arith.constant 0 : i32
    %dma_start3A_54 = tpu.memref_slice %arg2[%add3A_48, %dma_start3A_53] : memref<128x128xi32, #tpu.memory_space<hbm>> -> memref<1x128xi32, #tpu.memory_space<hbm>>
    %dma_start3A_55 = tpu.memref_squeeze %dma_start3A_54 : memref<1x128xi32, #tpu.memory_space<hbm>> -> memref<128xi32, #tpu.memory_space<hbm>>
    %dma_start3A_56 = arith.constant 0 : i32
    %dma_start3A_57 = tpu.memref_slice %arg5[%dma_start3A_49, %dma_start3A_56] : memref<4x128xi32, #tpu.memory_space<vmem>> -> memref<1x128xi32, #tpu.memory_space<vmem>>
    %dma_start3A_58 = tpu.memref_squeeze %dma_start3A_57 : memref<1x128xi32, #tpu.memory_space<vmem>> -> memref<128xi32, #tpu.memory_space<vmem>>
    %dma_start3A_59 = arith.constant 0 : i32
    %dma_start3A_60 = tpu.memref_slice %arg2[%add3A_48, %dma_start3A_59] : memref<128x128xi32, #tpu.memory_space<hbm>> -> memref<1x128xi32, #tpu.memory_space<hbm>>
    %dma_start3A_61 = tpu.memref_squeeze %dma_start3A_60 : memref<1x128xi32, #tpu.memory_space<hbm>> -> memref<128xi32, #tpu.memory_space<hbm>>
    tpu.enqueue_dma source(%dma_start3A_61 : memref<128xi32, #tpu.memory_space<hbm>>) target(%dma_start3A_58 : memref<128xi32, #tpu.memory_space<vmem>>) target_semaphore(%arg7 : memref<!tpu.dma_semaphore, #tpu.memory_space<semaphore_mem>>)
    %dma_wait3A = arith.constant 0 : i32
    %dma_wait3A_62 = arith.constant 0 : i32
    %dma_wait3A_63 = tpu.memref_slice %arg5[%dma_wait3A, %dma_wait3A_62] : memref<4x128xi32, #tpu.memory_space<vmem>> -> memref<1x128xi32, #tpu.memory_space<vmem>>
    %dma_wait3A_64 = tpu.memref_squeeze %dma_wait3A_63 : memref<1x128xi32, #tpu.memory_space<vmem>> -> memref<128xi32, #tpu.memory_space<vmem>>
    %dma_wait3A_65 = arith.constant 0 : i32
    %dma_wait3A_66 = tpu.memref_slice %arg2[%add3A_4, %dma_wait3A_65] : memref<128x128xi32, #tpu.memory_space<hbm>> -> memref<1x128xi32, #tpu.memory_space<hbm>>
    %dma_wait3A_67 = tpu.memref_squeeze %dma_wait3A_66 : memref<1x128xi32, #tpu.memory_space<hbm>> -> memref<128xi32, #tpu.memory_space<hbm>>
    %dma_wait3A_68 = arith.constant 0 : i32
    %dma_wait3A_69 = tpu.memref_slice %arg5[%dma_wait3A, %dma_wait3A_68] : memref<4x128xi32, #tpu.memory_space<vmem>> -> memref<1x128xi32, #tpu.memory_space<vmem>>
    %dma_wait3A_70 = tpu.memref_squeeze %dma_wait3A_69 : memref<1x128xi32, #tpu.memory_space<vmem>> -> memref<128xi32, #tpu.memory_space<vmem>>
    %dma_wait3A_71 = arith.constant 0 : i32
    %dma_wait3A_72 = tpu.memref_slice %arg2[%add3A_4, %dma_wait3A_71] : memref<128x128xi32, #tpu.memory_space<hbm>> -> memref<1x128xi32, #tpu.memory_space<hbm>>
    %dma_wait3A_73 = tpu.memref_squeeze %dma_wait3A_72 : memref<1x128xi32, #tpu.memory_space<hbm>> -> memref<128xi32, #tpu.memory_space<hbm>>
    tpu.wait_dma2 semaphore(%arg7 : memref<!tpu.dma_semaphore, #tpu.memory_space<semaphore_mem>>) src(%dma_wait3A_73 : memref<128xi32, #tpu.memory_space<hbm>>) dst(%dma_wait3A_70 : memref<128xi32, #tpu.memory_space<vmem>>)
    %dma_start3A_74 = arith.constant 0 : i32
    %dma_start3A_75 = arith.constant 0 : i32
    %dma_start3A_76 = arith.constant 0 : i32
    %dma_start3A_77 = tpu.memref_slice %arg6[%dma_start3A_75, %dma_start3A_76] : memref<4x128xf32, #tpu.memory_space<vmem>> -> memref<1x128xf32, #tpu.memory_space<vmem>>
    %dma_start3A_78 = tpu.memref_squeeze %dma_start3A_77 : memref<1x128xf32, #tpu.memory_space<vmem>> -> memref<128xf32, #tpu.memory_space<vmem>>
    %dma_start3A_79 = arith.constant 0 : i32
    %dma_start3A_80 = tpu.memref_slice %arg5[%dma_start3A_74, %dma_start3A_79] : memref<4x128xi32, #tpu.memory_space<vmem>> -> memref<1x128xi32, #tpu.memory_space<vmem>>
    %dma_start3A_81 = tpu.memref_squeeze %dma_start3A_80 : memref<1x128xi32, #tpu.memory_space<vmem>> -> memref<128xi32, #tpu.memory_space<vmem>>
    %dma_start3A_82 = arith.constant 0 : i32
    %dma_start3A_83 = tpu.memref_slice %arg3[%dma_start3A_82] : memref<1000448xf32, #tpu.memory_space<hbm>> -> memref<1000448xf32, #tpu.memory_space<hbm>>
    tpu.enqueue_indirect_dma source(%dma_start3A_83 : memref<1000448xf32, #tpu.memory_space<hbm>>) target(%dma_start3A_78 : memref<128xf32, #tpu.memory_space<vmem>>) offsets(%dma_start3A_81 : memref<128xi32, #tpu.memory_space<vmem>>) semaphore(%arg8 : memref<!tpu.dma_semaphore, #tpu.memory_space<semaphore_mem>>)
    %dma_wait3A_84 = arith.constant 1 : i32
    %dma_wait3A_85 = arith.constant 0 : i32
    %dma_wait3A_86 = tpu.memref_slice %arg5[%dma_wait3A_84, %dma_wait3A_85] : memref<4x128xi32, #tpu.memory_space<vmem>> -> memref<1x128xi32, #tpu.memory_space<vmem>>
    %dma_wait3A_87 = tpu.memref_squeeze %dma_wait3A_86 : memref<1x128xi32, #tpu.memory_space<vmem>> -> memref<128xi32, #tpu.memory_space<vmem>>
    %dma_wait3A_88 = arith.constant 0 : i32
    %dma_wait3A_89 = tpu.memref_slice %arg2[%add3A_18, %dma_wait3A_88] : memref<128x128xi32, #tpu.memory_space<hbm>> -> memref<1x128xi32, #tpu.memory_space<hbm>>
    %dma_wait3A_90 = tpu.memref_squeeze %dma_wait3A_89 : memref<1x128xi32, #tpu.memory_space<hbm>> -> memref<128xi32, #tpu.memory_space<hbm>>
    %dma_wait3A_91 = arith.constant 0 : i32
    %dma_wait3A_92 = tpu.memref_slice %arg5[%dma_wait3A_84, %dma_wait3A_91] : memref<4x128xi32, #tpu.memory_space<vmem>> -> memref<1x128xi32, #tpu.memory_space<vmem>>
    %dma_wait3A_93 = tpu.memref_squeeze %dma_wait3A_92 : memref<1x128xi32, #tpu.memory_space<vmem>> -> memref<128xi32, #tpu.memory_space<vmem>>
    %dma_wait3A_94 = arith.constant 0 : i32
    %dma_wait3A_95 = tpu.memref_slice %arg2[%add3A_18, %dma_wait3A_94] : memref<128x128xi32, #tpu.memory_space<hbm>> -> memref<1x128xi32, #tpu.memory_space<hbm>>
    %dma_wait3A_96 = tpu.memref_squeeze %dma_wait3A_95 : memref<1x128xi32, #tpu.memory_space<hbm>> -> memref<128xi32, #tpu.memory_space<hbm>>
    tpu.wait_dma2 semaphore(%arg7 : memref<!tpu.dma_semaphore, #tpu.memory_space<semaphore_mem>>) src(%dma_wait3A_96 : memref<128xi32, #tpu.memory_space<hbm>>) dst(%dma_wait3A_93 : memref<128xi32, #tpu.memory_space<vmem>>)
    %dma_start3A_97 = arith.constant 1 : i32
    %dma_start3A_98 = arith.constant 1 : i32
    %dma_start3A_99 = arith.constant 0 : i32
    %dma_start3A_100 = tpu.memref_slice %arg6[%dma_start3A_98, %dma_start3A_99] : memref<4x128xf32, #tpu.memory_space<vmem>> -> memref<1x128xf32, #tpu.memory_space<vmem>>
    %dma_start3A_101 = tpu.memref_squeeze %dma_start3A_100 : memref<1x128xf32, #tpu.memory_space<vmem>> -> memref<128xf32, #tpu.memory_space<vmem>>
    %dma_start3A_102 = arith.constant 0 : i32
    %dma_start3A_103 = tpu.memref_slice %arg5[%dma_start3A_97, %dma_start3A_102] : memref<4x128xi32, #tpu.memory_space<vmem>> -> memref<1x128xi32, #tpu.memory_space<vmem>>
    %dma_start3A_104 = tpu.memref_squeeze %dma_start3A_103 : memref<1x128xi32, #tpu.memory_space<vmem>> -> memref<128xi32, #tpu.memory_space<vmem>>
    %dma_start3A_105 = arith.constant 0 : i32
    %dma_start3A_106 = tpu.memref_slice %arg3[%dma_start3A_105] : memref<1000448xf32, #tpu.memory_space<hbm>> -> memref<1000448xf32, #tpu.memory_space<hbm>>
    tpu.enqueue_indirect_dma source(%dma_start3A_106 : memref<1000448xf32, #tpu.memory_space<hbm>>) target(%dma_start3A_101 : memref<128xf32, #tpu.memory_space<vmem>>) offsets(%dma_start3A_104 : memref<128xi32, #tpu.memory_space<vmem>>) semaphore(%arg8 : memref<!tpu.dma_semaphore, #tpu.memory_space<semaphore_mem>>)
    %dma_wait3A_107 = arith.constant 2 : i32
    %dma_wait3A_108 = arith.constant 0 : i32
    %dma_wait3A_109 = tpu.memref_slice %arg5[%dma_wait3A_107, %dma_wait3A_108] : memref<4x128xi32, #tpu.memory_space<vmem>> -> memref<1x128xi32, #tpu.memory_space<vmem>>
    %dma_wait3A_110 = tpu.memref_squeeze %dma_wait3A_109 : memref<1x128xi32, #tpu.memory_space<vmem>> -> memref<128xi32, #tpu.memory_space<vmem>>
    %dma_wait3A_111 = arith.constant 0 : i32
    %dma_wait3A_112 = tpu.memref_slice %arg2[%add3A_33, %dma_wait3A_111] : memref<128x128xi32, #tpu.memory_space<hbm>> -> memref<1x128xi32, #tpu.memory_space<hbm>>
    %dma_wait3A_113 = tpu.memref_squeeze %dma_wait3A_112 : memref<1x128xi32, #tpu.memory_space<hbm>> -> memref<128xi32, #tpu.memory_space<hbm>>
    %dma_wait3A_114 = arith.constant 0 : i32
    %dma_wait3A_115 = tpu.memref_slice %arg5[%dma_wait3A_107, %dma_wait3A_114] : memref<4x128xi32, #tpu.memory_space<vmem>> -> memref<1x128xi32, #tpu.memory_space<vmem>>
    %dma_wait3A_116 = tpu.memref_squeeze %dma_wait3A_115 : memref<1x128xi32, #tpu.memory_space<vmem>> -> memref<128xi32, #tpu.memory_space<vmem>>
    %dma_wait3A_117 = arith.constant 0 : i32
    %dma_wait3A_118 = tpu.memref_slice %arg2[%add3A_33, %dma_wait3A_117] : memref<128x128xi32, #tpu.memory_space<hbm>> -> memref<1x128xi32, #tpu.memory_space<hbm>>
    %dma_wait3A_119 = tpu.memref_squeeze %dma_wait3A_118 : memref<1x128xi32, #tpu.memory_space<hbm>> -> memref<128xi32, #tpu.memory_space<hbm>>
    tpu.wait_dma2 semaphore(%arg7 : memref<!tpu.dma_semaphore, #tpu.memory_space<semaphore_mem>>) src(%dma_wait3A_119 : memref<128xi32, #tpu.memory_space<hbm>>) dst(%dma_wait3A_116 : memref<128xi32, #tpu.memory_space<vmem>>)
    %dma_start3A_120 = arith.constant 2 : i32
    %dma_start3A_121 = arith.constant 2 : i32
    %dma_start3A_122 = arith.constant 0 : i32
    %dma_start3A_123 = tpu.memref_slice %arg6[%dma_start3A_121, %dma_start3A_122] : memref<4x128xf32, #tpu.memory_space<vmem>> -> memref<1x128xf32, #tpu.memory_space<vmem>>
    %dma_start3A_124 = tpu.memref_squeeze %dma_start3A_123 : memref<1x128xf32, #tpu.memory_space<vmem>> -> memref<128xf32, #tpu.memory_space<vmem>>
    %dma_start3A_125 = arith.constant 0 : i32
    %dma_start3A_126 = tpu.memref_slice %arg5[%dma_start3A_120, %dma_start3A_125] : memref<4x128xi32, #tpu.memory_space<vmem>> -> memref<1x128xi32, #tpu.memory_space<vmem>>
    %dma_start3A_127 = tpu.memref_squeeze %dma_start3A_126 : memref<1x128xi32, #tpu.memory_space<vmem>> -> memref<128xi32, #tpu.memory_space<vmem>>
    %dma_start3A_128 = arith.constant 0 : i32
    %dma_start3A_129 = tpu.memref_slice %arg3[%dma_start3A_128] : memref<1000448xf32, #tpu.memory_space<hbm>> -> memref<1000448xf32, #tpu.memory_space<hbm>>
    tpu.enqueue_indirect_dma source(%dma_start3A_129 : memref<1000448xf32, #tpu.memory_space<hbm>>) target(%dma_start3A_124 : memref<128xf32, #tpu.memory_space<vmem>>) offsets(%dma_start3A_127 : memref<128xi32, #tpu.memory_space<vmem>>) semaphore(%arg8 : memref<!tpu.dma_semaphore, #tpu.memory_space<semaphore_mem>>)
    %dma_wait3A_130 = arith.constant 3 : i32
    %dma_wait3A_131 = arith.constant 0 : i32
    %dma_wait3A_132 = tpu.memref_slice %arg5[%dma_wait3A_130, %dma_wait3A_131] : memref<4x128xi32, #tpu.memory_space<vmem>> -> memref<1x128xi32, #tpu.memory_space<vmem>>
    %dma_wait3A_133 = tpu.memref_squeeze %dma_wait3A_132 : memref<1x128xi32, #tpu.memory_space<vmem>> -> memref<128xi32, #tpu.memory_space<vmem>>
    %dma_wait3A_134 = arith.constant 0 : i32
    %dma_wait3A_135 = tpu.memref_slice %arg2[%add3A_48, %dma_wait3A_134] : memref<128x128xi32, #tpu.memory_space<hbm>> -> memref<1x128xi32, #tpu.memory_space<hbm>>
    %dma_wait3A_136 = tpu.memref_squeeze %dma_wait3A_135 : memref<1x128xi32, #tpu.memory_space<hbm>> -> memref<128xi32, #tpu.memory_space<hbm>>
    %dma_wait3A_137 = arith.constant 0 : i32
    %dma_wait3A_138 = tpu.memref_slice %arg5[%dma_wait3A_130, %dma_wait3A_137] : memref<4x128xi32, #tpu.memory_space<vmem>> -> memref<1x128xi32, #tpu.memory_space<vmem>>
    %dma_wait3A_139 = tpu.memref_squeeze %dma_wait3A_138 : memref<1x128xi32, #tpu.memory_space<vmem>> -> memref<128xi32, #tpu.memory_space<vmem>>
    %dma_wait3A_140 = arith.constant 0 : i32
    %dma_wait3A_141 = tpu.memref_slice %arg2[%add3A_48, %dma_wait3A_140] : memref<128x128xi32, #tpu.memory_space<hbm>> -> memref<1x128xi32, #tpu.memory_space<hbm>>
    %dma_wait3A_142 = tpu.memref_squeeze %dma_wait3A_141 : memref<1x128xi32, #tpu.memory_space<hbm>> -> memref<128xi32, #tpu.memory_space<hbm>>
    tpu.wait_dma2 semaphore(%arg7 : memref<!tpu.dma_semaphore, #tpu.memory_space<semaphore_mem>>) src(%dma_wait3A_142 : memref<128xi32, #tpu.memory_space<hbm>>) dst(%dma_wait3A_139 : memref<128xi32, #tpu.memory_space<vmem>>)
    %dma_start3A_143 = arith.constant 3 : i32
    %dma_start3A_144 = arith.constant 3 : i32
    %dma_start3A_145 = arith.constant 0 : i32
    %dma_start3A_146 = tpu.memref_slice %arg6[%dma_start3A_144, %dma_start3A_145] : memref<4x128xf32, #tpu.memory_space<vmem>> -> memref<1x128xf32, #tpu.memory_space<vmem>>
    %dma_start3A_147 = tpu.memref_squeeze %dma_start3A_146 : memref<1x128xf32, #tpu.memory_space<vmem>> -> memref<128xf32, #tpu.memory_space<vmem>>
    %dma_start3A_148 = arith.constant 0 : i32
    %dma_start3A_149 = tpu.memref_slice %arg5[%dma_start3A_143, %dma_start3A_148] : memref<4x128xi32, #tpu.memory_space<vmem>> -> memref<1x128xi32, #tpu.memory_space<vmem>>
    %dma_start3A_150 = tpu.memref_squeeze %dma_start3A_149 : memref<1x128xi32, #tpu.memory_space<vmem>> -> memref<128xi32, #tpu.memory_space<vmem>>
    %dma_start3A_151 = arith.constant 0 : i32
    %dma_start3A_152 = tpu.memref_slice %arg3[%dma_start3A_151] : memref<1000448xf32, #tpu.memory_space<hbm>> -> memref<1000448xf32, #tpu.memory_space<hbm>>
    tpu.enqueue_indirect_dma source(%dma_start3A_152 : memref<1000448xf32, #tpu.memory_space<hbm>>) target(%dma_start3A_147 : memref<128xf32, #tpu.memory_space<vmem>>) offsets(%dma_start3A_150 : memref<128xi32, #tpu.memory_space<vmem>>) semaphore(%arg8 : memref<!tpu.dma_semaphore, #tpu.memory_space<semaphore_mem>>)
    %dma_wait3A_153 = arith.constant 0 : i32
    %dma_wait3A_154 = arith.constant 0 : i32
    %dma_wait3A_155 = arith.constant 0 : i32
    %dma_wait3A_156 = tpu.memref_slice %arg6[%dma_wait3A_154, %dma_wait3A_155] : memref<4x128xf32, #tpu.memory_space<vmem>> -> memref<1x128xf32, #tpu.memory_space<vmem>>
    %dma_wait3A_157 = tpu.memref_squeeze %dma_wait3A_156 : memref<1x128xf32, #tpu.memory_space<vmem>> -> memref<128xf32, #tpu.memory_space<vmem>>
    %dma_wait3A_158 = arith.constant 0 : i32
    %dma_wait3A_159 = tpu.memref_slice %arg5[%dma_wait3A_153, %dma_wait3A_158] : memref<4x128xi32, #tpu.memory_space<vmem>> -> memref<1x128xi32, #tpu.memory_space<vmem>>
    %dma_wait3A_160 = tpu.memref_squeeze %dma_wait3A_159 : memref<1x128xi32, #tpu.memory_space<vmem>> -> memref<128xi32, #tpu.memory_space<vmem>>
    %dma_wait3A_161 = arith.constant 0 : i32
    %dma_wait3A_162 = tpu.memref_slice %arg3[%dma_wait3A_161] : memref<1000448xf32, #tpu.memory_space<hbm>> -> memref<1000448xf32, #tpu.memory_space<hbm>>
    tpu.wait_indirect_dma semaphore(%arg8 : memref<!tpu.dma_semaphore, #tpu.memory_space<semaphore_mem>>) src(%dma_wait3A_162 : memref<1000448xf32, #tpu.memory_space<hbm>>) dst(%dma_wait3A_157 : memref<128xf32, #tpu.memory_space<vmem>>)
    %add3A_163 = arith.constant 0 : i32
    %add3A_164 = arith.addi %mul3A_2, %add3A_163 : i32
    %dma_start3A_165 = arith.constant 0 : i32
    %dma_start3A_166 = arith.constant 0 : i32
    %dma_start3A_167 = tpu.memref_slice %arg6[%dma_start3A_165, %dma_start3A_166] : memref<4x128xf32, #tpu.memory_space<vmem>> -> memref<1x128xf32, #tpu.memory_space<vmem>>
    %dma_start3A_168 = tpu.memref_squeeze %dma_start3A_167 : memref<1x128xf32, #tpu.memory_space<vmem>> -> memref<128xf32, #tpu.memory_space<vmem>>
    %dma_start3A_169 = arith.constant 0 : i32
    %dma_start3A_170 = tpu.memref_slice %arg4[%add3A_164, %dma_start3A_169] : memref<128x128xf32, #tpu.memory_space<hbm>> -> memref<1x128xf32, #tpu.memory_space<hbm>>
    %dma_start3A_171 = tpu.memref_squeeze %dma_start3A_170 : memref<1x128xf32, #tpu.memory_space<hbm>> -> memref<128xf32, #tpu.memory_space<hbm>>
    %dma_start3A_172 = arith.constant 0 : i32
    %dma_start3A_173 = tpu.memref_slice %arg4[%add3A_164, %dma_start3A_172] : memref<128x128xf32, #tpu.memory_space<hbm>> -> memref<1x128xf32, #tpu.memory_space<hbm>>
    %dma_start3A_174 = tpu.memref_squeeze %dma_start3A_173 : memref<1x128xf32, #tpu.memory_space<hbm>> -> memref<128xf32, #tpu.memory_space<hbm>>
    %dma_start3A_175 = arith.constant 0 : i32
    %dma_start3A_176 = tpu.memref_slice %arg6[%dma_start3A_165, %dma_start3A_175] : memref<4x128xf32, #tpu.memory_space<vmem>> -> memref<1x128xf32, #tpu.memory_space<vmem>>
    %dma_start3A_177 = tpu.memref_squeeze %dma_start3A_176 : memref<1x128xf32, #tpu.memory_space<vmem>> -> memref<128xf32, #tpu.memory_space<vmem>>
    tpu.enqueue_dma source(%dma_start3A_177 : memref<128xf32, #tpu.memory_space<vmem>>) target(%dma_start3A_174 : memref<128xf32, #tpu.memory_space<hbm>>) target_semaphore(%arg7 : memref<!tpu.dma_semaphore, #tpu.memory_space<semaphore_mem>>)
    %dma_wait3A_178 = arith.constant 1 : i32
    %dma_wait3A_179 = arith.constant 1 : i32
    %dma_wait3A_180 = arith.constant 0 : i32
    %dma_wait3A_181 = tpu.memref_slice %arg6[%dma_wait3A_179, %dma_wait3A_180] : memref<4x128xf32, #tpu.memory_space<vmem>> -> memref<1x128xf32, #tpu.memory_space<vmem>>
    %dma_wait3A_182 = tpu.memref_squeeze %dma_wait3A_181 : memref<1x128xf32, #tpu.memory_space<vmem>> -> memref<128xf32, #tpu.memory_space<vmem>>
    %dma_wait3A_183 = arith.constant 0 : i32
    %dma_wait3A_184 = tpu.memref_slice %arg5[%dma_wait3A_178, %dma_wait3A_183] : memref<4x128xi32, #tpu.memory_space<vmem>> -> memref<1x128xi32, #tpu.memory_space<vmem>>
    %dma_wait3A_185 = tpu.memref_squeeze %dma_wait3A_184 : memref<1x128xi32, #tpu.memory_space<vmem>> -> memref<128xi32, #tpu.memory_space<vmem>>
    %dma_wait3A_186 = arith.constant 0 : i32
    %dma_wait3A_187 = tpu.memref_slice %arg3[%dma_wait3A_186] : memref<1000448xf32, #tpu.memory_space<hbm>> -> memref<1000448xf32, #tpu.memory_space<hbm>>
    tpu.wait_indirect_dma semaphore(%arg8 : memref<!tpu.dma_semaphore, #tpu.memory_space<semaphore_mem>>) src(%dma_wait3A_187 : memref<1000448xf32, #tpu.memory_space<hbm>>) dst(%dma_wait3A_182 : memref<128xf32, #tpu.memory_space<vmem>>)
    %add3A_188 = arith.constant 1 : i32
    %add3A_189 = arith.addi %mul3A_2, %add3A_188 : i32
    %dma_start3A_190 = arith.constant 1 : i32
    %dma_start3A_191 = arith.constant 0 : i32
    %dma_start3A_192 = tpu.memref_slice %arg6[%dma_start3A_190, %dma_start3A_191] : memref<4x128xf32, #tpu.memory_space<vmem>> -> memref<1x128xf32, #tpu.memory_space<vmem>>
    %dma_start3A_193 = tpu.memref_squeeze %dma_start3A_192 : memref<1x128xf32, #tpu.memory_space<vmem>> -> memref<128xf32, #tpu.memory_space<vmem>>
    %dma_start3A_194 = arith.constant 0 : i32
    %dma_start3A_195 = tpu.memref_slice %arg4[%add3A_189, %dma_start3A_194] : memref<128x128xf32, #tpu.memory_space<hbm>> -> memref<1x128xf32, #tpu.memory_space<hbm>>
    %dma_start3A_196 = tpu.memref_squeeze %dma_start3A_195 : memref<1x128xf32, #tpu.memory_space<hbm>> -> memref<128xf32, #tpu.memory_space<hbm>>
    %dma_start3A_197 = arith.constant 0 : i32
    %dma_start3A_198 = tpu.memref_slice %arg4[%add3A_189, %dma_start3A_197] : memref<128x128xf32, #tpu.memory_space<hbm>> -> memref<1x128xf32, #tpu.memory_space<hbm>>
    %dma_start3A_199 = tpu.memref_squeeze %dma_start3A_198 : memref<1x128xf32, #tpu.memory_space<hbm>> -> memref<128xf32, #tpu.memory_space<hbm>>
    %dma_start3A_200 = arith.constant 0 : i32
    %dma_start3A_201 = tpu.memref_slice %arg6[%dma_start3A_190, %dma_start3A_200] : memref<4x128xf32, #tpu.memory_space<vmem>> -> memref<1x128xf32, #tpu.memory_space<vmem>>
    %dma_start3A_202 = tpu.memref_squeeze %dma_start3A_201 : memref<1x128xf32, #tpu.memory_space<vmem>> -> memref<128xf32, #tpu.memory_space<vmem>>
    tpu.enqueue_dma source(%dma_start3A_202 : memref<128xf32, #tpu.memory_space<vmem>>) target(%dma_start3A_199 : memref<128xf32, #tpu.memory_space<hbm>>) target_semaphore(%arg7 : memref<!tpu.dma_semaphore, #tpu.memory_space<semaphore_mem>>)
    %dma_wait3A_203 = arith.constant 2 : i32
    %dma_wait3A_204 = arith.constant 2 : i32
    %dma_wait3A_205 = arith.constant 0 : i32
    %dma_wait3A_206 = tpu.memref_slice %arg6[%dma_wait3A_204, %dma_wait3A_205] : memref<4x128xf32, #tpu.memory_space<vmem>> -> memref<1x128xf32, #tpu.memory_space<vmem>>
    %dma_wait3A_207 = tpu.memref_squeeze %dma_wait3A_206 : memref<1x128xf32, #tpu.memory_space<vmem>> -> memref<128xf32, #tpu.memory_space<vmem>>
    %dma_wait3A_208 = arith.constant 0 : i32
    %dma_wait3A_209 = tpu.memref_slice %arg5[%dma_wait3A_203, %dma_wait3A_208] : memref<4x128xi32, #tpu.memory_space<vmem>> -> memref<1x128xi32, #tpu.memory_space<vmem>>
    %dma_wait3A_210 = tpu.memref_squeeze %dma_wait3A_209 : memref<1x128xi32, #tpu.memory_space<vmem>> -> memref<128xi32, #tpu.memory_space<vmem>>
    %dma_wait3A_211 = arith.constant 0 : i32
    %dma_wait3A_212 = tpu.memref_slice %arg3[%dma_wait3A_211] : memref<1000448xf32, #tpu.memory_space<hbm>> -> memref<1000448xf32, #tpu.memory_space<hbm>>
    tpu.wait_indirect_dma semaphore(%arg8 : memref<!tpu.dma_semaphore, #tpu.memory_space<semaphore_mem>>) src(%dma_wait3A_212 : memref<1000448xf32, #tpu.memory_space<hbm>>) dst(%dma_wait3A_207 : memref<128xf32, #tpu.memory_space<vmem>>)
    %add3A_213 = arith.constant 2 : i32
    %add3A_214 = arith.addi %mul3A_2, %add3A_213 : i32
    %dma_start3A_215 = arith.constant 2 : i32
    %dma_start3A_216 = arith.constant 0 : i32
    %dma_start3A_217 = tpu.memref_slice %arg6[%dma_start3A_215, %dma_start3A_216] : memref<4x128xf32, #tpu.memory_space<vmem>> -> memref<1x128xf32, #tpu.memory_space<vmem>>
    %dma_start3A_218 = tpu.memref_squeeze %dma_start3A_217 : memref<1x128xf32, #tpu.memory_space<vmem>> -> memref<128xf32, #tpu.memory_space<vmem>>
    %dma_start3A_219 = arith.constant 0 : i32
    %dma_start3A_220 = tpu.memref_slice %arg4[%add3A_214, %dma_start3A_219] : memref<128x128xf32, #tpu.memory_space<hbm>> -> memref<1x128xf32, #tpu.memory_space<hbm>>
    %dma_start3A_221 = tpu.memref_squeeze %dma_start3A_220 : memref<1x128xf32, #tpu.memory_space<hbm>> -> memref<128xf32, #tpu.memory_space<hbm>>
    %dma_start3A_222 = arith.constant 0 : i32
    %dma_start3A_223 = tpu.memref_slice %arg4[%add3A_214, %dma_start3A_222] : memref<128x128xf32, #tpu.memory_space<hbm>> -> memref<1x128xf32, #tpu.memory_space<hbm>>
    %dma_start3A_224 = tpu.memref_squeeze %dma_start3A_223 : memref<1x128xf32, #tpu.memory_space<hbm>> -> memref<128xf32, #tpu.memory_space<hbm>>
    %dma_start3A_225 = arith.constant 0 : i32
    %dma_start3A_226 = tpu.memref_slice %arg6[%dma_start3A_215, %dma_start3A_225] : memref<4x128xf32, #tpu.memory_space<vmem>> -> memref<1x128xf32, #tpu.memory_space<vmem>>
    %dma_start3A_227 = tpu.memref_squeeze %dma_start3A_226 : memref<1x128xf32, #tpu.memory_space<vmem>> -> memref<128xf32, #tpu.memory_space<vmem>>
    tpu.enqueue_dma source(%dma_start3A_227 : memref<128xf32, #tpu.memory_space<vmem>>) target(%dma_start3A_224 : memref<128xf32, #tpu.memory_space<hbm>>) target_semaphore(%arg7 : memref<!tpu.dma_semaphore, #tpu.memory_space<semaphore_mem>>)
    %dma_wait3A_228 = arith.constant 3 : i32
    %dma_wait3A_229 = arith.constant 3 : i32
    %dma_wait3A_230 = arith.constant 0 : i32
    %dma_wait3A_231 = tpu.memref_slice %arg6[%dma_wait3A_229, %dma_wait3A_230] : memref<4x128xf32, #tpu.memory_space<vmem>> -> memref<1x128xf32, #tpu.memory_space<vmem>>
    %dma_wait3A_232 = tpu.memref_squeeze %dma_wait3A_231 : memref<1x128xf32, #tpu.memory_space<vmem>> -> memref<128xf32, #tpu.memory_space<vmem>>
    %dma_wait3A_233 = arith.constant 0 : i32
    %dma_wait3A_234 = tpu.memref_slice %arg5[%dma_wait3A_228, %dma_wait3A_233] : memref<4x128xi32, #tpu.memory_space<vmem>> -> memref<1x128xi32, #tpu.memory_space<vmem>>
    %dma_wait3A_235 = tpu.memref_squeeze %dma_wait3A_234 : memref<1x128xi32, #tpu.memory_space<vmem>> -> memref<128xi32, #tpu.memory_space<vmem>>
    %dma_wait3A_236 = arith.constant 0 : i32
    %dma_wait3A_237 = tpu.memref_slice %arg3[%dma_wait3A_236] : memref<1000448xf32, #tpu.memory_space<hbm>> -> memref<1000448xf32, #tpu.memory_space<hbm>>
    tpu.wait_indirect_dma semaphore(%arg8 : memref<!tpu.dma_semaphore, #tpu.memory_space<semaphore_mem>>) src(%dma_wait3A_237 : memref<1000448xf32, #tpu.memory_space<hbm>>) dst(%dma_wait3A_232 : memref<128xf32, #tpu.memory_space<vmem>>)
    %add3A_238 = arith.constant 3 : i32
    %add3A_239 = arith.addi %mul3A_2, %add3A_238 : i32
    %dma_start3A_240 = arith.constant 3 : i32
    %dma_start3A_241 = arith.constant 0 : i32
    %dma_start3A_242 = tpu.memref_slice %arg6[%dma_start3A_240, %dma_start3A_241] : memref<4x128xf32, #tpu.memory_space<vmem>> -> memref<1x128xf32, #tpu.memory_space<vmem>>
    %dma_start3A_243 = tpu.memref_squeeze %dma_start3A_242 : memref<1x128xf32, #tpu.memory_space<vmem>> -> memref<128xf32, #tpu.memory_space<vmem>>
    %dma_start3A_244 = arith.constant 0 : i32
    %dma_start3A_245 = tpu.memref_slice %arg4[%add3A_239, %dma_start3A_244] : memref<128x128xf32, #tpu.memory_space<hbm>> -> memref<1x128xf32, #tpu.memory_space<hbm>>
    %dma_start3A_246 = tpu.memref_squeeze %dma_start3A_245 : memref<1x128xf32, #tpu.memory_space<hbm>> -> memref<128xf32, #tpu.memory_space<hbm>>
    %dma_start3A_247 = arith.constant 0 : i32
    %dma_start3A_248 = tpu.memref_slice %arg4[%add3A_239, %dma_start3A_247] : memref<128x128xf32, #tpu.memory_space<hbm>> -> memref<1x128xf32, #tpu.memory_space<hbm>>
    %dma_start3A_249 = tpu.memref_squeeze %dma_start3A_248 : memref<1x128xf32, #tpu.memory_space<hbm>> -> memref<128xf32, #tpu.memory_space<hbm>>
    %dma_start3A_250 = arith.constant 0 : i32
    %dma_start3A_251 = tpu.memref_slice %arg6[%dma_start3A_240, %dma_start3A_250] : memref<4x128xf32, #tpu.memory_space<vmem>> -> memref<1x128xf32, #tpu.memory_space<vmem>>
    %dma_start3A_252 = tpu.memref_squeeze %dma_start3A_251 : memref<1x128xf32, #tpu.memory_space<vmem>> -> memref<128xf32, #tpu.memory_space<vmem>>
    tpu.enqueue_dma source(%dma_start3A_252 : memref<128xf32, #tpu.memory_space<vmem>>) target(%dma_start3A_249 : memref<128xf32, #tpu.memory_space<hbm>>) target_semaphore(%arg7 : memref<!tpu.dma_semaphore, #tpu.memory_space<semaphore_mem>>)
    %dma_wait3A_253 = arith.constant 0 : i32
    %dma_wait3A_254 = arith.constant 0 : i32
    %dma_wait3A_255 = tpu.memref_slice %arg6[%dma_wait3A_253, %dma_wait3A_254] : memref<4x128xf32, #tpu.memory_space<vmem>> -> memref<1x128xf32, #tpu.memory_space<vmem>>
    %dma_wait3A_256 = tpu.memref_squeeze %dma_wait3A_255 : memref<1x128xf32, #tpu.memory_space<vmem>> -> memref<128xf32, #tpu.memory_space<vmem>>
    %dma_wait3A_257 = arith.constant 0 : i32
    %dma_wait3A_258 = tpu.memref_slice %arg4[%add3A_164, %dma_wait3A_257] : memref<128x128xf32, #tpu.memory_space<hbm>> -> memref<1x128xf32, #tpu.memory_space<hbm>>
    %dma_wait3A_259 = tpu.memref_squeeze %dma_wait3A_258 : memref<1x128xf32, #tpu.memory_space<hbm>> -> memref<128xf32, #tpu.memory_space<hbm>>
    %dma_wait3A_260 = arith.constant 0 : i32
    %dma_wait3A_261 = tpu.memref_slice %arg4[%add3A_164, %dma_wait3A_260] : memref<128x128xf32, #tpu.memory_space<hbm>> -> memref<1x128xf32, #tpu.memory_space<hbm>>
    %dma_wait3A_262 = tpu.memref_squeeze %dma_wait3A_261 : memref<1x128xf32, #tpu.memory_space<hbm>> -> memref<128xf32, #tpu.memory_space<hbm>>
    %dma_wait3A_263 = arith.constant 0 : i32
    %dma_wait3A_264 = tpu.memref_slice %arg6[%dma_wait3A_253, %dma_wait3A_263] : memref<4x128xf32, #tpu.memory_space<vmem>> -> memref<1x128xf32, #tpu.memory_space<vmem>>
    %dma_wait3A_265 = tpu.memref_squeeze %dma_wait3A_264 : memref<1x128xf32, #tpu.memory_space<vmem>> -> memref<128xf32, #tpu.memory_space<vmem>>
    tpu.wait_dma2 semaphore(%arg7 : memref<!tpu.dma_semaphore, #tpu.memory_space<semaphore_mem>>) src(%dma_wait3A_265 : memref<128xf32, #tpu.memory_space<vmem>>) dst(%dma_wait3A_262 : memref<128xf32, #tpu.memory_space<hbm>>)
    %dma_wait3A_266 = arith.constant 1 : i32
    %dma_wait3A_267 = arith.constant 0 : i32
    %dma_wait3A_268 = tpu.memref_slice %arg6[%dma_wait3A_266, %dma_wait3A_267] : memref<4x128xf32, #tpu.memory_space<vmem>> -> memref<1x128xf32, #tpu.memory_space<vmem>>
    %dma_wait3A_269 = tpu.memref_squeeze %dma_wait3A_268 : memref<1x128xf32, #tpu.memory_space<vmem>> -> memref<128xf32, #tpu.memory_space<vmem>>
    %dma_wait3A_270 = arith.constant 0 : i32
    %dma_wait3A_271 = tpu.memref_slice %arg4[%add3A_189, %dma_wait3A_270] : memref<128x128xf32, #tpu.memory_space<hbm>> -> memref<1x128xf32, #tpu.memory_space<hbm>>
    %dma_wait3A_272 = tpu.memref_squeeze %dma_wait3A_271 : memref<1x128xf32, #tpu.memory_space<hbm>> -> memref<128xf32, #tpu.memory_space<hbm>>
    %dma_wait3A_273 = arith.constant 0 : i32
    %dma_wait3A_274 = tpu.memref_slice %arg4[%add3A_189, %dma_wait3A_273] : memref<128x128xf32, #tpu.memory_space<hbm>> -> memref<1x128xf32, #tpu.memory_space<hbm>>
    %dma_wait3A_275 = tpu.memref_squeeze %dma_wait3A_274 : memref<1x128xf32, #tpu.memory_space<hbm>> -> memref<128xf32, #tpu.memory_space<hbm>>
    %dma_wait3A_276 = arith.constant 0 : i32
    %dma_wait3A_277 = tpu.memref_slice %arg6[%dma_wait3A_266, %dma_wait3A_276] : memref<4x128xf32, #tpu.memory_space<vmem>> -> memref<1x128xf32, #tpu.memory_space<vmem>>
    %dma_wait3A_278 = tpu.memref_squeeze %dma_wait3A_277 : memref<1x128xf32, #tpu.memory_space<vmem>> -> memref<128xf32, #tpu.memory_space<vmem>>
    tpu.wait_dma2 semaphore(%arg7 : memref<!tpu.dma_semaphore, #tpu.memory_space<semaphore_mem>>) src(%dma_wait3A_278 : memref<128xf32, #tpu.memory_space<vmem>>) dst(%dma_wait3A_275 : memref<128xf32, #tpu.memory_space<hbm>>)
    %dma_wait3A_279 = arith.constant 2 : i32
    %dma_wait3A_280 = arith.constant 0 : i32
    %dma_wait3A_281 = tpu.memref_slice %arg6[%dma_wait3A_279, %dma_wait3A_280] : memref<4x128xf32, #tpu.memory_space<vmem>> -> memref<1x128xf32, #tpu.memory_space<vmem>>
    %dma_wait3A_282 = tpu.memref_squeeze %dma_wait3A_281 : memref<1x128xf32, #tpu.memory_space<vmem>> -> memref<128xf32, #tpu.memory_space<vmem>>
    %dma_wait3A_283 = arith.constant 0 : i32
    %dma_wait3A_284 = tpu.memref_slice %arg4[%add3A_214, %dma_wait3A_283] : memref<128x128xf32, #tpu.memory_space<hbm>> -> memref<1x128xf32, #tpu.memory_space<hbm>>
    %dma_wait3A_285 = tpu.memref_squeeze %dma_wait3A_284 : memref<1x128xf32, #tpu.memory_space<hbm>> -> memref<128xf32, #tpu.memory_space<hbm>>
    %dma_wait3A_286 = arith.constant 0 : i32
    %dma_wait3A_287 = tpu.memref_slice %arg4[%add3A_214, %dma_wait3A_286] : memref<128x128xf32, #tpu.memory_space<hbm>> -> memref<1x128xf32, #tpu.memory_space<hbm>>
    %dma_wait3A_288 = tpu.memref_squeeze %dma_wait3A_287 : memref<1x128xf32, #tpu.memory_space<hbm>> -> memref<128xf32, #tpu.memory_space<hbm>>
    %dma_wait3A_289 = arith.constant 0 : i32
    %dma_wait3A_290 = tpu.memref_slice %arg6[%dma_wait3A_279, %dma_wait3A_289] : memref<4x128xf32, #tpu.memory_space<vmem>> -> memref<1x128xf32, #tpu.memory_space<vmem>>
    %dma_wait3A_291 = tpu.memref_squeeze %dma_wait3A_290 : memref<1x128xf32, #tpu.memory_space<vmem>> -> memref<128xf32, #tpu.memory_space<vmem>>
    tpu.wait_dma2 semaphore(%arg7 : memref<!tpu.dma_semaphore, #tpu.memory_space<semaphore_mem>>) src(%dma_wait3A_291 : memref<128xf32, #tpu.memory_space<vmem>>) dst(%dma_wait3A_288 : memref<128xf32, #tpu.memory_space<hbm>>)
    %dma_wait3A_292 = arith.constant 3 : i32
    %dma_wait3A_293 = arith.constant 0 : i32
    %dma_wait3A_294 = tpu.memref_slice %arg6[%dma_wait3A_292, %dma_wait3A_293] : memref<4x128xf32, #tpu.memory_space<vmem>> -> memref<1x128xf32, #tpu.memory_space<vmem>>
    %dma_wait3A_295 = tpu.memref_squeeze %dma_wait3A_294 : memref<1x128xf32, #tpu.memory_space<vmem>> -> memref<128xf32, #tpu.memory_space<vmem>>
    %dma_wait3A_296 = arith.constant 0 : i32
    %dma_wait3A_297 = tpu.memref_slice %arg4[%add3A_239, %dma_wait3A_296] : memref<128x128xf32, #tpu.memory_space<hbm>> -> memref<1x128xf32, #tpu.memory_space<hbm>>
    %dma_wait3A_298 = tpu.memref_squeeze %dma_wait3A_297 : memref<1x128xf32, #tpu.memory_space<hbm>> -> memref<128xf32, #tpu.memory_space<hbm>>
    %dma_wait3A_299 = arith.constant 0 : i32
    %dma_wait3A_300 = tpu.memref_slice %arg4[%add3A_239, %dma_wait3A_299] : memref<128x128xf32, #tpu.memory_space<hbm>> -> memref<1x128xf32, #tpu.memory_space<hbm>>
    %dma_wait3A_301 = tpu.memref_squeeze %dma_wait3A_300 : memref<1x128xf32, #tpu.memory_space<hbm>> -> memref<128xf32, #tpu.memory_space<hbm>>
    %dma_wait3A_302 = arith.constant 0 : i32
    %dma_wait3A_303 = tpu.memref_slice %arg6[%dma_wait3A_292, %dma_wait3A_302] : memref<4x128xf32, #tpu.memory_space<vmem>> -> memref<1x128xf32, #tpu.memory_space<vmem>>
    %dma_wait3A_304 = tpu.memref_squeeze %dma_wait3A_303 : memref<1x128xf32, #tpu.memory_space<vmem>> -> memref<128xf32, #tpu.memory_space<vmem>>
    tpu.wait_dma2 semaphore(%arg7 : memref<!tpu.dma_semaphore, #tpu.memory_space<semaphore_mem>>) src(%dma_wait3A_304 : memref<128xf32, #tpu.memory_space<vmem>>) dst(%dma_wait3A_301 : memref<128xf32, #tpu.memory_space<hbm>>)
    return
  }
}

</mosaic_0001>

<sc_bundles>
// kernel: kernel.4.cloned.1.call-start
scs
__scs_entry_jumppad:
0x0: {  	(pc) =	sbr.rel $0x88, $3  }
0x1: {  	(tag) =	ssettag $0x0;
	lr =	simm.s32 $0x1  }
0x2: {  	[smem:$0x3F9F] =	sst lr;
	_ =	strace $0xD0000000  }
0x3: {  	_ = 	snop  }
0x4: {  	_ = 	snop  }
0x5: {  	_ = 	snop  }
0x6: {  	_ = 	snop  }
0x7: {  	_ = 	snop  }
__scs_overlays_trampoline_lowered:
0x8: {  	[smem:$0x3FAE] =	sst s0  }
0x9: {  	[smem:$0x3FAF] =	sst s1  }
0xa: {  	[smem:$0x3FB0] =	sst s2  }
0xb: {  	[smem:$0x3FB1] =	sst s3  }
0xc: {  	[smem:$0x3FB2] =	sst s4  }
0xd: {  	[smem:$0x3FB3] =	sst s5  }
0xe: {  	[smem:$0x3FB4] =	sst s6  }
0xf: {  	[smem:$0x3FB5] =	sst s7  }
0x10: {  	[smem:$0x3FB6] =	sst s8  }
0x11: {  	[smem:$0x3FB7] =	sst s9;
	s0 =	simm.s32 @!p0 $0x0  }
0x12: {  	s1 =	sld [smem:$0x3F9D];
	s0 =	simm.s32 @p0 $0x1  }
0x13: {  	[smem:$0x3FB8] =	sst s0;
	s0 =	simm.s32 @!p1 $0x0  }
0x14: {  	s2 =	sld [smem:$0x3F9C];
	s0 =	simm.s32 @p1 $0x1  }
0x15: {  	[smem:$0x3FB9] =	sst s0;
	s0 =	simm.s32 @!p2 $0x0  }
0x16: {  	s3 =	sld [smem:$0x3FDB];
	s0 =	simm.s32 @p2 $0x1  }
0x17: {  	s4 =	simm.s32 $0x1BF5;
	[smem:$0x3FBB] =	sst s0  }
0x18: {  	s0 =	sld [smem:$0x3F9E];
	_ =	swait.ge [sflag:s4], $0x0  }
0x19: {  	s7 =	sld [smem:$0x3F9F]  }
0x1a: {  	s8 =	sadd.s32 $0xFFFFE003, lr  }
0x1b: {  	s9 =	sadd.s32 $0xFFFFFEF7, lr;
	s5 =	simm.s32 $0xFFFFFFFF;
	p2 =	slt.u32 s8, $0xFFFFF086  }
0x1c: {  	p1 =	slt.u32 s9, $0xF7A;
	s5 =	simm.s32 @!p2 $0x0  }
0x1d: {  	s5 =	simm.s32 @p1 $0x1;
	p0 =	seq.s32 s7, s2  }
0x1e: {  	s7 =	smul.u32 @!p0 $0xF7A, s2;
	p2 =	seq.s32 @!p0 s5, $0x0  }
0x1f: {  	s9 =	smul.u32 $0xF7A, s1;
	s8 =	simm.s32 @!p0 $0x1BF5;
	p2 =	por !p2, p0  }
0x20: {  	[sflag:s8] =	ssyncset.s32 @!p0 $0xFFFFF086;
	s6 =	sadd.s32 @!p0 s3, s7;
	s7 =	simm.s32 @!p0 $0x108  }
0x21: {  	s3 =	sadd.s32 s3, s9;
	s6 =	sadd.s32 @!p0 $0x88, s6;
	s7 =	simm.s32 @p2 $0x1082  }
0x22: {  	[simem:s7], [sflag:s8] =	dma.local @!p0 [hbm:s6], $0xF7A  }
0x23: {  	s9 =	sor.u32 $0xD0000000, s2;
	s6 =	simm.s32 $0x108;
	_ =	swait.ge @!p0 [sflag:s8], $0x0  }
0x24: {  	s3 =	sadd.s32 $0x88, s3;
	s6 =	simm.s32 @!p1 $0x1082;
	[sflag:s4] =	ssyncset.s32 $0xFFFFF086  }
0x25: {  	[simem:s6], [sflag:s4] =	dma.local [hbm:s3], $0xF7A  }
0x26: {  	[smem:$0x3F9F] =	sst s1;
	(tag) =	ssettag s2;
	_ =	strace s9  }
0x27: {  	s1 =	sld [smem:$0x3FAF]  }
0x28: {  	s2 =	sld [smem:$0x3FB0]  }
0x29: {  	s4 =	sld [smem:$0x3FB2]  }
0x2a: {  	p0 =	seq.s32 s5, $0x0;
	s5 =	sld [smem:$0x3FB3]  }
0x2b: {  	s6 =	sld [smem:$0x3FB4]  }
0x2c: {  	s7 =	sld [smem:$0x3FB5]  }
0x2d: {  	s3 =	simm.s32 $0x108;
	s8 =	sld [smem:$0x3FB6]  }
0x2e: {  	s3 =	simm.s32 @!p0 $0x1082;
	s9 =	sld [smem:$0x3FB7]  }
0x2f: {  	lr =	sadd.s32 s0, s3;
	s0 =	sld [smem:$0x3FAE]  }
0x30: {  	s3 =	sld [smem:$0x3FB1]  }
0x31: {  	[smem:$0x3FBA] =	sst s10  }
0x32: {  	s10 =	sld [smem:$0x3FB8];
	_ =	sdelay $0x3  }
0x33: {  	p0 =	seq.s32 s10, $0x1;
	s10 =	sld [smem:$0x3FBA];
	_ =	sdelay $0x3  }
0x34: {  	[smem:$0x3FBA] =	sst s10  }
0x35: {  	s10 =	sld [smem:$0x3FB9];
	_ =	sdelay $0x3  }
0x36: {  	p1 =	seq.s32 s10, $0x1;
	s10 =	sld [smem:$0x3FBA];
	_ =	sdelay $0x3  }
0x37: {  	[smem:$0x3FBA] =	sst s10  }
0x38: {  	s10 =	sld [smem:$0x3FBB]  }
0x39: {  	_ = 	snop;
	(pc) =	sbr.ind lr, $3  }
0x3a: {  	_ = 	snop  }
0x3b: {  	_ = 	snop  }
0x3c: {  	p2 =	seq.s32 s10, $0x1;
	s10 =	sld [smem:$0x3FBA]  }
0x3d: {  	_ =	shalt  }
0x3e: {  	_ =	shalt  }
0x3f: {  	_ =	shalt  }
0x40: {  	_ =	shalt  }
0x41: {  	_ =	shalt  }
0x42: {  	_ =	shalt  }
0x43: {  	_ =	shalt  }
0x44: {  	_ =	shalt  }
0x45: {  	_ =	shalt  }
0x46: {  	_ =	shalt  }
0x47: {  	_ =	shalt  }
0x48: {  	_ =	shalt  }
0x49: {  	_ =	shalt  }
0x4a: {  	_ =	shalt  }
0x4b: {  	_ =	shalt  }
0x4c: {  	_ =	shalt  }
0x4d: {  	_ =	shalt  }
0x4e: {  	_ =	shalt  }
0x4f: {  	_ =	shalt  }
0x50: {  	_ =	shalt  }
0x51: {  	_ =	shalt  }
0x52: {  	_ =	shalt  }
0x53: {  	_ =	shalt  }
0x54: {  	_ =	shalt  }
0x55: {  	_ =	shalt  }
0x56: {  	_ =	shalt  }
0x57: {  	_ =	shalt  }
0x58: {  	_ =	shalt  }
0x59: {  	_ =	shalt  }
0x5a: {  	_ =	shalt  }
0x5b: {  	_ =	shalt  }
0x5c: {  	_ =	shalt  }
0x5d: {  	_ =	shalt  }
0x5e: {  	_ =	shalt  }
0x5f: {  	_ =	shalt  }
0x60: {  	_ =	shalt  }
0x61: {  	_ =	shalt  }
0x62: {  	_ =	shalt  }
0x63: {  	_ =	shalt  }
0x64: {  	_ =	shalt  }
0x65: {  	_ =	shalt  }
0x66: {  	_ =	shalt  }
0x67: {  	_ =	shalt  }
0x68: {  	_ =	shalt  }
0x69: {  	_ =	shalt  }
0x6a: {  	_ =	shalt  }
0x6b: {  	_ =	shalt  }
0x6c: {  	_ =	shalt  }
0x6d: {  	_ =	shalt  }
0x6e: {  	_ =	shalt  }
0x6f: {  	_ =	shalt  }
0x70: {  	_ =	shalt  }
0x71: {  	_ =	shalt  }
0x72: {  	_ =	shalt  }
0x73: {  	_ =	shalt  }
0x74: {  	_ =	shalt  }
0x75: {  	_ =	shalt  }
0x76: {  	_ =	shalt  }
0x77: {  	_ =	shalt  }
0x78: {  	_ =	shalt  }
0x79: {  	_ =	shalt  }
0x7a: {  	_ =	shalt  }
0x7b: {  	_ =	shalt  }
0x7c: {  	_ =	shalt  }
0x7d: {  	_ =	shalt  }
0x7e: {  	_ =	shalt  }
0x7f: {  	_ =	shalt  }
0x80: {  	_ =	shalt  }
0x81: {  	_ =	shalt  }
0x82: {  	_ =	shalt  }
0x83: {  	_ =	shalt  }
0x84: {  	_ =	shalt  }
0x85: {  	_ =	shalt  }
0x86: {  	_ =	shalt  }
0x87: {  	_ =	shalt  }
.Lfunc_end0:
.L_simem_size_0:
called_computation_lowered:
.L_overlay_start_0:
0x88: {  	s2 =	sld [smem:$0x3FD9]  }
0x89: {  	s3 =	sld [smem:$0x3FFE];
	_ =	sdelay $0x1  }
0x8a: {  	s1 =	srdreg.scid  }
0x8b: {  	s0 =	sand.u32 $0x1, s1  }
0x8c: {  	s17 =	sshll.u32 s0, $0xA;
	s2 =	sadd.s32 s3, s2  }
0x8d: {  	s2 =	sadd.s32 s2, s17  }
0x8e: {  	[smem:$0x3FC6] =	sst s2  }
0x8f: {  	_ = 	snop  }
0x90: {  	s2 =	sld [smem:$0x3FC9]  }
0x91: {  	s18 =	sld [smem:$0x3FD0];
	(tm) =	ssettm $0x1  }
0x92: {  	s4 =	sld [smem:$0x3FFB];
	_ =	sdelay $0x3  }
0x93: {  	_ =	strace s4  }
0x94: {  	s4 =	sld [smem:$0x3FFC];
	_ =	sdelay $0x3  }
0x95: {  	_ =	strace s4  }
0x96: {  	s4 =	sld [smem:$0x3FFD];
	_ =	sdelay $0x3  }
0x97: {  	_ =	strace s4  }
0x98: {  	_ =	strace $0x8FFFFFFF  }
0x99: {  	s19 =	sld [smem:$0x3FDB];
	_ =	sdelay $0x1  }
0x9a: {  	s5 =	simm.s32 $_scs_section_size  }
0x9b: {  	s6 =	simm.s32 $_size__tile_overlayer_lowered;
	s7 =	simm.s32 $_tile_overlayer_lowered  }
0x9c: {  	s22 =	simm.s32 $0x1BFF;
	s21 =	sshll.u32 s7, $0x1;
	s4 =	sadd.s32 s5, s19  }
0x9d: {  	s8 =	simm.s32 $0x0;
	s20 =	sshll.u32 s6, $0x1;
	s6 =	sadd.s32 s21, s4  }
0x9e: {  	[timem:s8], [sflag:s22] =	dma.local [hbm:s6], s20  }
0x9f: {  	_ =	swait.ge [sflag:s22], s20  }
0xa0: {  	s5 =	ssub.s32 $0x0, s20;
	[sflag:s22] =	ssyncset.done $0x0  }
0xa1: {  	[sflag:s22] =	ssyncadd.s32 s5;
	_ =	sdelay $0x1  }
0xa2: {  	s23 =	simm.s32 $0x1B8B  }
0xa3: {  	_ =	swait.ge [sflag:s23], $0x1  }
0xa4: {  	[sflag:s23] =	ssyncset.done $0x0  }
0xa5: {  	s25 =	simm.s32 $0x1B8E;
	s24 =	sld [smem:$0x3FFE];
	[sflag:s23] =	ssyncadd.s32 $0xFFFFFFFF  }
0xa6: {  	s26 =	simm.s32 $execute0_lowered;
	[smem:$0x3FD2] =	sst s25  }
0xa7: {  	s6 =	sshll.u32 s26, $0x1;
	_ =	strace $0x80000046;
	[dreg:$0x1] =	wrdreg $0xFFFFFFFF  }
0xa8: {  	s28 =	simm.s32 $_size_execute0_lowered;
	s4 =	sadd.s32 s4, s6;
	[dreg:$0x0] =	wrdreg $0x0  }
0xa9: {  	s6 =	sshll.u32 s28, $0x1;
	[dreg:$0x2] =	wrdreg s4  }
0xaa: {  	[dreg:$0x3] =	wrdreg s6  }
0xab: {  	[dreg:$0x4] =	wrdreg $0xC0  }
0xac: {  	_ =	task [dreg:s8], $0x5FFFF  }
0xad: {  	[dreg:$0x1] =	wrdreg $0xFFFFFFFF  }
0xae: {  	[dreg:$0x0] =	wrdreg $0x60  }
0xaf: {  	[dreg:$0x2] =	wrdreg s2  }
0xb0: {  	[dreg:$0x3] =	wrdreg s24  }
0xb1: {  	[dreg:$0x4] =	wrdreg s18  }
0xb2: {  	[dreg:$0x5] =	wrdreg $0x9  }
0xb3: {  	_ =	task.clear_ibuf [dreg:s8], $0x6FFFF;
	_ =	strace $0x90000046  }
0xb4: {  	s29 =	simm.s32 $0x9;
	_ =	strace $0x80000048  }
0xb5: {  	_ =	swait.ge [sflag:s29], $0x1  }
0xb6: {  	[sflag:s29] =	ssyncadd.s32 $0xFFFFFFFF  }
0xb7: {  	_ =	strace $0x90000048  }
0xb8: {  	_ =	sfence  }
0xb9: {  	s30 =	sld [smem:$0x0];
	_ =	sdelay $0x2  }
0xba: {  	s31 =	sshll.u32 s1, $0xD;
	s1 =	sshrl.u32 s1, $0x2  }
0xbb: {  	s3 =	sand.u32 $0x4000, s31;
	s1 =	sadd.s32 s1, s30  }
0xbc: {  	s0 =	sor.u32 s3, s0;
	s1 =	sshll.u32 s1, $0x11  }
0xbd: {  	s0 =	sor.u32 s1, s0  }
0xbe: {  	s0 =	sadd.s32 $0x8F2B, s0  }
0xbf: {  	[sflag:s0] =	ssyncadd.remote.s32 $0x1  }
0xc0: {  	_ =	sfence.sel $0xFFFF  }
0xc1: {  	[dreg:$0x0] =	wrdreg $0xFFFFFFFF;
	(pc) =	sbr.abs _section_cstart, $3  }
0xc2: {  	[dreg:$0x1] =	wrdreg $0xFFFFFFFF  }
0xc3: {  	_ =	task.clear_ibuf [dreg:s8], $0x2FFFF;
	_ =	strace $0x9FFFFFFF  }
0xc4: {  	(tm) =	ssettm $0x7FFFFFFF  }
0xc5: {  	_ =	shalt  }
tec
execute0_lowered:
.L_overlay_start_1:
0x0: {  	(tag) =	ssettag $0x1  }
0x1: {  	s8 =	rddreg [dreg:$0x0]  }
0x2: {  	s11 =	rddreg [dreg:$0x1]  }
0x3: {  	s20 =	rddreg [dreg:$0x2];
	s2 =	srdreg.scid  }
0x4: {  	s0 =	rddreg [dreg:$0x3];
	s1 =	stileid.u32;
	s21 =	sand.u32 $0x1, s2  }
0x5: {  	s2 =	simm.s32 $0x0;
	s3 =	sshll.u32 s1, $0x7;
	s4 =	sshll.u32 s21, $0x6  }
0x6: {  	[smem:$0x7FF] =	sst s2;
	s17 =	sor.u32 s4, s3  }
0x7: {  	_ =	strace $0x80000047;
	s3 =	sadd.s32 s8, s17;
	s18 =	sor.u32 $0x10, s17  }
0x8: {  	[tilespmem:s2], [sflag:$0x1] =	stream.linear.gather [hbm4b:s3+s2], $0x80, $0x38;
	[tilespmem:$0x400] =	vst v63  }
0x9: {  	s5 =	simm.s32 $0x80;
	s19 =	sor.u32 $0x20, s17;
	s4 =	sadd.s32 s8, s18  }
0xa: {  	[tilespmem:s5], [sflag:$0x1] =	stream.linear.gather [hbm4b:s4+s2], $0x80, $0x38;
	[tilespmem:$0x400] =	vst v63  }
0xb: {  	s7 =	simm.s32 $0x100;
	s22 =	sor.u32 $0x30, s17;
	s6 =	sadd.s32 s8, s19  }
0xc: {  	[tilespmem:s7], [sflag:$0x1] =	stream.linear.gather [hbm4b:s6+s2], $0x80, $0x38;
	[tilespmem:$0x400] =	vst v63  }
0xd: {  	s10 =	simm.s32 $0x180;
	s9 =	simm.s32 $0x1;
	s8 =	sadd.s32 s8, s22  }
0xe: {  	[tilespmem:s10], [sflag:$0x1] =	stream.linear.gather [hbm4b:s8+s2], $0x80, $0x38;
	[tilespmem:$0x400] =	vst v63  }
0xf: {  	_ =	swait.ge [sflag:s9], $0x80  }
0x10: {  	[sflag:s9] =	ssyncset.done $0x0  }
0x11: {  	s12 =	simm.s32 $0x200;
	s11 =	sadd.s32 $0x400, s11;
	[sflag:s9] =	ssyncadd.s32 $0xFFFFFF80  }
0x12: {  	[tilespmem:s12], [sflag:$0x2] =	stream.indirect.gather [hbm4b:s11+s5], $0x1, s2, s5, $0xb8;
	[tilespmem:$0x400] =	vst v63  }
0x13: {  	_ =	swait.ge [sflag:s9], $0x80  }
0x14: {  	[sflag:s9] =	ssyncset.done $0x0  }
0x15: {  	s13 =	simm.s32 $0x280;
	[sflag:s9] =	ssyncadd.s32 $0xFFFFFF80  }
0x16: {  	[tilespmem:s13], [sflag:$0x2] =	stream.indirect.gather [hbm4b:s11+s5], $0x1, s5, s5, $0xb8;
	[tilespmem:$0x400] =	vst v63  }
0x17: {  	_ =	swait.ge [sflag:s9], $0x80  }
0x18: {  	[sflag:s9] =	ssyncset.done $0x0  }
0x19: {  	s14 =	simm.s32 $0x300;
	[sflag:s9] =	ssyncadd.s32 $0xFFFFFF80  }
0x1a: {  	[tilespmem:s14], [sflag:$0x2] =	stream.indirect.gather [hbm4b:s11+s5], $0x1, s7, s5, $0xb8;
	[tilespmem:$0x400] =	vst v63  }
0x1b: {  	_ =	swait.ge [sflag:s9], $0x80  }
0x1c: {  	[sflag:s9] =	ssyncset.done $0x0  }
0x1d: {  	s15 =	simm.s32 $0x380;
	s16 =	simm.s32 $0x2;
	[sflag:s9] =	ssyncadd.s32 $0xFFFFFF80  }
0x1e: {  	[tilespmem:s15], [sflag:$0x2] =	stream.indirect.gather [hbm4b:s11+s5], $0x1, s10, s5, $0xb8;
	[tilespmem:$0x400] =	vst v63  }
0x1f: {  	_ =	swait.ge [sflag:s16], $0x80  }
0x20: {  	[sflag:s16] =	ssyncset.done $0x0  }
0x21: {  	s17 =	sadd.s32 s20, s17;
	[sflag:s16] =	ssyncadd.s32 $0xFFFFFF80  }
0x22: {  	[hbm4b:s17+s2] =	stream.linear.scatter [tilespmem:s12], [sflag:$0x1], $0x80, $0x38;
	[tilespmem:$0x400] =	vst v63  }
0x23: {  	_ =	swait.ge [sflag:s16], $0x80  }
0x24: {  	[sflag:s16] =	ssyncset.done $0x0  }
0x25: {  	s18 =	sadd.s32 s20, s18;
	[sflag:s16] =	ssyncadd.s32 $0xFFFFFF80  }
0x26: {  	[hbm4b:s18+s2] =	stream.linear.scatter [tilespmem:s13], [sflag:$0x1], $0x80, $0x38;
	[tilespmem:$0x400] =	vst v63  }
0x27: {  	_ =	swait.ge [sflag:s16], $0x80  }
0x28: {  	[sflag:s16] =	ssyncset.done $0x0  }
0x29: {  	s19 =	sadd.s32 s20, s19;
	[sflag:s16] =	ssyncadd.s32 $0xFFFFFF80  }
0x2a: {  	[hbm4b:s19+s2] =	stream.linear.scatter [tilespmem:s14], [sflag:$0x1], $0x80, $0x38;
	[tilespmem:$0x400] =	vst v63  }
0x2b: {  	_ =	swait.ge [sflag:s16], $0x80  }
0x2c: {  	[sflag:s16] =	ssyncset.done $0x0  }
0x2d: {  	s20 =	sadd.s32 s20, s22;
	[sflag:s16] =	ssyncadd.s32 $0xFFFFFF80  }
0x2e: {  	[hbm4b:s20+s2] =	stream.linear.scatter [tilespmem:s15], [sflag:$0x1], $0x80, $0x38;
	[tilespmem:$0x400] =	vst v63  }
0x2f: {  	_ =	swait.ge [sflag:s9], $0x80  }
0x30: {  	s21 =	ssub.s32 $0x2, s21;
	[sflag:s9] =	ssyncset.done $0x0  }
0x31: {  	s31 =	sshrl.u32 s21, $0x1;
	[sflag:s9] =	ssyncadd.s32 $0xFFFFFF80  }
0x32: {  	s21 =	ssub.s32 s21, s31;
	_ =	swait.ge [sflag:s9], $0x80  }
0x33: {  	s21 =	smax.u32 s21, $0x1;
	[sflag:s9] =	ssyncset.done $0x0  }
0x34: {  	p0 =	sne.s32 s21, $0x1;
	[sflag:s9] =	ssyncadd.s32 $0xFFFFFF80  }
.Ltmp0:
0x35: {  	_ =	swait.ge [sflag:s9], $0x80;
	(pc) =	sbr.rel @!p0 .LBB2_2-.Ltmp0, $4  }
0x36: {  	[sflag:s9] =	ssyncset.done $0x0  }
0x37: {  	[sflag:s9] =	ssyncadd.s32 $0xFFFFFF80  }
0x38: {  	_ =	swait.ge [sflag:s9], $0x80  }
0x39: {  	s21 =	sadd.s32 $0xFFFFFFFF, s21;
	[sflag:s9] =	ssyncset.done $0x0  }
.LBB2_1:
0x3a: {  	p0 =	sne.s32 s21, $0x1;
	s21 =	sadd.s32 $0xFFFFFFFF, s21;
	[sflag:s9] =	ssyncadd.s32 $0xFFFFFF80  }
0x3b: {  	[tilespmem:s2], [sflag:$0x1] =	stream.linear.gather [hbm4b:s3+s2], $0x80, $0x38;
	[tilespmem:$0x400] =	vst v63  }
0x3c: {  	_ = 	snop  }
0x3d: {  	[tilespmem:s5], [sflag:$0x1] =	stream.linear.gather [hbm4b:s4+s2], $0x80, $0x38;
	[tilespmem:$0x400] =	vst v63  }
0x3e: {  	_ = 	snop  }
0x3f: {  	[tilespmem:s7], [sflag:$0x1] =	stream.linear.gather [hbm4b:s6+s2], $0x80, $0x38;
	[tilespmem:$0x400] =	vst v63  }
0x40: {  	_ = 	snop  }
0x41: {  	[tilespmem:s10], [sflag:$0x1] =	stream.linear.gather [hbm4b:s8+s2], $0x80, $0x38;
	[tilespmem:$0x400] =	vst v63  }
0x42: {  	_ =	swait.ge [sflag:s9], $0x80  }
0x43: {  	[sflag:s9] =	ssyncset.done $0x0  }
0x44: {  	[sflag:s9] =	ssyncadd.s32 $0xFFFFFF80  }
0x45: {  	[tilespmem:s12], [sflag:$0x2] =	stream.indirect.gather [hbm4b:s11+s5], $0x1, s2, s5, $0xb8;
	[tilespmem:$0x400] =	vst v63  }
0x46: {  	_ =	swait.ge [sflag:s9], $0x80  }
0x47: {  	[sflag:s9] =	ssyncset.done $0x0  }
0x48: {  	[sflag:s9] =	ssyncadd.s32 $0xFFFFFF80  }
0x49: {  	[tilespmem:s13], [sflag:$0x2] =	stream.indirect.gather [hbm4b:s11+s5], $0x1, s5, s5, $0xb8;
	[tilespmem:$0x400] =	vst v63  }
0x4a: {  	_ =	swait.ge [sflag:s9], $0x80  }
0x4b: {  	[sflag:s9] =	ssyncset.done $0x0  }
0x4c: {  	[sflag:s9] =	ssyncadd.s32 $0xFFFFFF80  }
0x4d: {  	[tilespmem:s14], [sflag:$0x2] =	stream.indirect.gather [hbm4b:s11+s5], $0x1, s7, s5, $0xb8;
	[tilespmem:$0x400] =	vst v63  }
0x4e: {  	_ =	swait.ge [sflag:s9], $0x80  }
0x4f: {  	[sflag:s9] =	ssyncset.done $0x0  }
0x50: {  	[sflag:s9] =	ssyncadd.s32 $0xFFFFFF80  }
0x51: {  	[tilespmem:s15], [sflag:$0x2] =	stream.indirect.gather [hbm4b:s11+s5], $0x1, s10, s5, $0xb8;
	[tilespmem:$0x400] =	vst v63  }
0x52: {  	_ =	swait.ge [sflag:s16], $0x80  }
0x53: {  	[sflag:s16] =	ssyncset.done $0x0  }
0x54: {  	[sflag:s16] =	ssyncadd.s32 $0xFFFFFF80  }
0x55: {  	[hbm4b:s17+s2] =	stream.linear.scatter [tilespmem:s12], [sflag:$0x1], $0x80, $0x38;
	[tilespmem:$0x400] =	vst v63  }
0x56: {  	_ =	swait.ge [sflag:s16], $0x80  }
0x57: {  	[sflag:s16] =	ssyncset.done $0x0  }
0x58: {  	[sflag:s16] =	ssyncadd.s32 $0xFFFFFF80  }
0x59: {  	[hbm4b:s18+s2] =	stream.linear.scatter [tilespmem:s13], [sflag:$0x1], $0x80, $0x38;
	[tilespmem:$0x400] =	vst v63  }
0x5a: {  	_ =	swait.ge [sflag:s16], $0x80  }
0x5b: {  	[sflag:s16] =	ssyncset.done $0x0  }
0x5c: {  	[sflag:s16] =	ssyncadd.s32 $0xFFFFFF80  }
0x5d: {  	[hbm4b:s19+s2] =	stream.linear.scatter [tilespmem:s14], [sflag:$0x1], $0x80, $0x38;
	[tilespmem:$0x400] =	vst v63  }
0x5e: {  	_ =	swait.ge [sflag:s16], $0x80  }
0x5f: {  	[sflag:s16] =	ssyncset.done $0x0  }
0x60: {  	[sflag:s16] =	ssyncadd.s32 $0xFFFFFF80  }
0x61: {  	[hbm4b:s20+s2] =	stream.linear.scatter [tilespmem:s15], [sflag:$0x1], $0x80, $0x38;
	[tilespmem:$0x400] =	vst v63  }
0x62: {  	_ =	swait.ge [sflag:s9], $0x80  }
0x63: {  	[sflag:s9] =	ssyncset.done $0x0  }
0x64: {  	[sflag:s9] =	ssyncadd.s32 $0xFFFFFF80  }
0x65: {  	_ =	swait.ge [sflag:s9], $0x80  }
0x66: {  	[sflag:s9] =	ssyncset.done $0x0  }
0x67: {  	[sflag:s9] =	ssyncadd.s32 $0xFFFFFF80  }
.Ltmp1:
0x68: {  	_ =	swait.ge [sflag:s9], $0x80;
	(pc) =	sbr.rel @p0 .LBB2_1-.Ltmp1, $4  }
0x69: {  	[sflag:s9] =	ssyncset.done $0x0  }
0x6a: {  	[sflag:s9] =	ssyncadd.s32 $0xFFFFFF80  }
0x6b: {  	_ =	swait.ge [sflag:s9], $0x80  }
0x6c: {  	[sflag:s9] =	ssyncset.done $0x0  }
.LBB2_2:
0x6d: {  	[sflag:s9] =	ssyncadd.s32 $0xFFFFFF80  }
0x6e: {  	_ =	sfence.sel $0x180000  }
0x6f: {  	[bflag:$0x0] =	sbarrier.arrive $0xFFFF  }
0x70: {  	p0 =	sne.s32 s1, $0x0;
	_ =	strace $0x90000047  }
0x71: {  	s0 =	sadd.s32 @!p0 $0x100000, s0;
	[bflag:$0x2] =	sbarrier.arrive $0xFFFF  }
0x72: {  	[sflag:s0] =	ssyncadd.tile.s32 @!p0 $0x1;
	_ =	shalt  }
.Lfunc_end2:
_tile_overlayer_lowered:
.L_overlay_start_2:
0x73: {  	(tag) =	ssettag $0x2  }
0x74: {  	s0 =	rddreg [dreg:$0x0];
	s2 =	stileid.u32  }
0x75: {  	s1 =	rddreg [dreg:$0x1];
	p0 =	sne.s32 s2, $0x0  }
0x76: {  	s3 =	rddreg [dreg:$0x2];
	[bflag:$0x3] =	sbarrier.arrive $0xFFFF;
	s2 =	simm.s32 @!p0 $0x1C03  }
0x77: {  	[timem:s3], [sflag:s2] =	dma.local @!p0 [hbm:s0], s1  }
0x78: {  	s0 =	simm.s32 @!p0 $0x3  }
0x79: {  	_ =	swait.ge @!p0 [sflag:s0], s1  }
0x7a: {  	s1 =	ssub.s32 @!p0 $0x0, s1;
	[sflag:s0] =	ssyncset.done @!p0 $0x0  }
0x7b: {  	[sflag:s0] =	ssyncadd.s32 @!p0 s1  }
0x7c: {  	[bflag:$0x3] =	sbarrier.arrive $0xFFFF  }
0x7d: {  	_ =	shalt  }

</sc_bundles>
